<compile_context>
chip_gen: v7x
topology: tpu7x:2x2x1
jax: 0.10.2.dev20260603
libtpu: 0.0.44.dev20260713+nightly
codegen_flags: <defaults>
</compile_context>

<pallas_src>
import jax
import jax.numpy as jnp
from jax import lax
from jax.experimental import pallas as pl
from jax.experimental.pallas import tpu as pltpu
from jax.experimental.pallas import tpu_sc as plsc

D_IN = 1024
D_LEARNT = 32768
BATCH = 128
N_DEAD = 4096

BLK = 2048
BLKZ = 512

NC = 2
NS = 16
NW = NC * NS
J_PER_W = N_DEAD // NW
V_PER_W = D_LEARNT // NW
L = 16


def _z_body(u_ref, x_ref, o_ref):
    o_ref[...] = lax.dot_general(
        u_ref[...], x_ref[...], (((1,), (1,)), ((), ())),
        preferred_element_type=jnp.float32)


def _main_body(x_ref, w_ref, b_ref, m_ref, zf_ref, o_ref):
    acc = lax.dot_general(
        x_ref[...], w_ref[...], (((1,), (1,)), ((), ())),
        preferred_element_type=jnp.float32)
    zt = zf_ref[...].T
    pre = jnp.where(m_ref[...] > 0.5, zt, acc)
    o_ref[...] = jnp.maximum(pre + b_ref[...], 0.0)


def _sc_scatter_body(idx_hbm, zt_hbm, bias_hbm, ub_hbm,
                     zfull_hbm, mask_hbm, bnew_hbm,
                     idx_v, rows_v, all_idx_v, all_ub_v, mbuf_v, bbuf_v,
                     sem_r, sem_i, sem_u, sem_s, sem_b):
    wid = lax.axis_index("s") * NC + lax.axis_index("c")

    jbase = wid * J_PER_W
    rows_cp = pltpu.async_copy(
        zt_hbm.at[pl.ds(jbase, J_PER_W)], rows_v, sem_r)
    idx_all_cp = pltpu.async_copy(idx_hbm, all_idx_v, sem_i)
    ub_all_cp = pltpu.async_copy(ub_hbm, all_ub_v, sem_u)
    pltpu.sync_copy(idx_hbm.at[pl.ds(jbase, J_PER_W)], idx_v)

    vbase = wid * V_PER_W
    bias_cp = pltpu.async_copy(
        bias_hbm.at[pl.ds(vbase, V_PER_W)], bbuf_v, sem_b)

    rows_cp.wait()
    scatter_cp = pltpu.async_copy(rows_v, zfull_hbm.at[idx_v], sem_s)

    @plsc.parallel_loop(0, V_PER_W // L, unroll=4)
    def _zero(i):
        mbuf_v[pl.ds(i * L, L)] = jnp.zeros((L,), jnp.float32)

    idx_all_cp.wait()
    ub_all_cp.wait()
    bias_cp.wait()

    ones = jnp.ones((L,), jnp.float32)

    @plsc.parallel_loop(0, N_DEAD // L, unroll=8)
    def _mark(i):
        v = all_idx_v[pl.ds(i * L, L)]
        ubv = all_ub_v[pl.ds(i * L, L)]
        local = v - vbase
        inrange = (local >= 0) & (local < V_PER_W)
        safe = jnp.clip(local, 0, V_PER_W - 1)
        plsc.store_scatter(mbuf_v, [safe], ones, mask=inrange)
        plsc.store_scatter(bbuf_v, [safe], ubv, mask=inrange)

    pltpu.sync_copy(mbuf_v, mask_hbm.at[pl.ds(vbase, V_PER_W)])
    pltpu.sync_copy(bbuf_v, bnew_hbm.at[pl.ds(vbase, V_PER_W)])
    scatter_cp.wait()


def _sc_scatter(idx, zt, bias, ub):
    mesh = plsc.VectorSubcoreMesh(core_axis_name="c", subcore_axis_name="s")
    f = pl.kernel(
        _sc_scatter_body,
        out_type=(
            jax.ShapeDtypeStruct((D_LEARNT, BATCH), jnp.float32),
            jax.ShapeDtypeStruct((D_LEARNT,), jnp.float32),
            jax.ShapeDtypeStruct((D_LEARNT,), jnp.float32),
        ),
        mesh=mesh,
        scratch_types=[
            pltpu.VMEM((J_PER_W,), jnp.int32),
            pltpu.VMEM((J_PER_W, BATCH), jnp.float32),
            pltpu.VMEM((N_DEAD,), jnp.int32),
            pltpu.VMEM((N_DEAD,), jnp.float32),
            pltpu.VMEM((V_PER_W,), jnp.float32),
            pltpu.VMEM((V_PER_W,), jnp.float32),
            pltpu.SemaphoreType.DMA,
            pltpu.SemaphoreType.DMA,
            pltpu.SemaphoreType.DMA,
            pltpu.SemaphoreType.DMA,
            pltpu.SemaphoreType.DMA,
        ],
        compiler_params=pltpu.CompilerParams(needs_layout_passes=False),
    )
    return f(idx, zt, bias, ub)


def kernel(x, weight, bias, dictionary_vector_indices,
           updated_dictionary_weights, updated_bias_features):
    idx = dictionary_vector_indices.astype(jnp.int32)

    zt = pl.pallas_call(
        _z_body,
        grid=(N_DEAD // BLKZ,),
        in_specs=[
            pl.BlockSpec((BLKZ, D_IN), lambda t: (t, 0)),
            pl.BlockSpec((BATCH, D_IN), lambda t: (0, 0)),
        ],
        out_specs=pl.BlockSpec((BLKZ, BATCH), lambda t: (t, 0)),
        out_shape=jax.ShapeDtypeStruct((N_DEAD, BATCH), jnp.float32),
    )(updated_dictionary_weights, x)

    zfull, mask, bnew = _sc_scatter(idx, zt, bias, updated_bias_features)

    out = pl.pallas_call(
        _main_body,
        grid=(D_LEARNT // BLK,),
        in_specs=[
            pl.BlockSpec((BATCH, D_IN), lambda t: (0, 0)),
            pl.BlockSpec((BLK, D_IN), lambda t: (t, 0)),
            pl.BlockSpec((1, BLK), lambda t: (0, t)),
            pl.BlockSpec((1, BLK), lambda t: (0, t)),
            pl.BlockSpec((BLK, BATCH), lambda t: (t, 0)),
        ],
        out_specs=pl.BlockSpec((BATCH, BLK), lambda t: (0, t)),
        out_shape=jax.ShapeDtypeStruct((BATCH, D_LEARNT), jnp.float32),
    )(x, weight, bnew.reshape(1, -1), mask.reshape(1, -1), zfull)
    return out

# --- scband reference (transcript-rebuilt; emitter-appended) ---
"""Pipeline reference for scband-abstract-encoder-54726473286242 (READ-ONLY COPY).

The authoritative reference and input builder live on the scoring server;
editing this copy changes nothing except your own understanding.
"""

import jax, jax.numpy as jnp
import numpy as np

D_IN = 1024
D_LEARNT = 32768
BATCH = 128
N_DEAD = 4096


def setup_inputs(seed: int = 0) -> dict:
    key = jax.random.key(seed)
    k1, k2, k3, k4 = jax.random.split(key, 4)
    x = jax.random.normal(k1, (BATCH, D_IN), dtype=jnp.float32)
    weight = jax.random.normal(k2, (D_LEARNT, D_IN), dtype=jnp.float32) * (1.0 / np.sqrt(D_IN))
    bias = jnp.zeros((D_LEARNT,), dtype=jnp.float32)
    # unique indices of dead dictionary vectors to resample (scatter-overwrite targets)
    dictionary_vector_indices = jax.random.permutation(k3, D_LEARNT)[:N_DEAD]
    updated_dictionary_weights = jax.random.normal(k4, (N_DEAD, D_IN), dtype=jnp.float32) * (1.0 / np.sqrt(D_IN))
    updated_bias_features = jnp.zeros((N_DEAD,), dtype=jnp.float32)
    return {
        "x": x,
        "weight": weight,
        "bias": bias,
        "dictionary_vector_indices": dictionary_vector_indices,
        "updated_dictionary_weights": updated_dictionary_weights,
        "updated_bias_features": updated_bias_features,
    }


def reference(x, weight, bias, dictionary_vector_indices, updated_dictionary_weights, updated_bias_features):
    # update_dictionary_vectors: scatter-overwrite rows of the encoder weight matrix
    w = weight.at[dictionary_vector_indices, :].set(updated_dictionary_weights)
    # update_bias: scatter-overwrite entries of the encoder bias
    b = bias.at[dictionary_vector_indices].set(updated_bias_features)
    # encoder forward pass: learnt-feature activations (standard SAE encoder)
    out = jax.nn.relu(x @ w.T + b)
    return out

if __name__ == "__main__":
    import jax
    _d = setup_inputs()
    print(jax.jit(kernel)(*tuple(_d.values())))

</pallas_src>

<mosaic_0001>
#map = affine_map<(d0, d1) -> (0)>
#map1 = affine_map<(d0, d1) -> (0, 0)>
module attributes {stable_mosaic.version = 14 : i64} {
  func.func @_sc_scatter_body(%arg0: i32, %arg1: i32, %arg2: memref<4096xi32, #tpu.memory_space<hbm>>, %arg3: memref<4096x128xf32, #tpu.memory_space<hbm>>, %arg4: memref<32768xf32, #tpu.memory_space<hbm>>, %arg5: memref<4096xf32, #tpu.memory_space<hbm>>, %arg6: memref<32768x128xf32, #tpu.memory_space<hbm>>, %arg7: memref<32768xf32, #tpu.memory_space<hbm>>, %arg8: memref<32768xf32, #tpu.memory_space<hbm>>, %arg9: memref<128xi32, #tpu.memory_space<vmem>>, %arg10: memref<128x128xf32, #tpu.memory_space<vmem>>, %arg11: memref<4096xi32, #tpu.memory_space<vmem>>, %arg12: memref<4096xf32, #tpu.memory_space<vmem>>, %arg13: memref<1024xf32, #tpu.memory_space<vmem>>, %arg14: memref<1024xf32, #tpu.memory_space<vmem>>, %arg15: memref<!tpu.dma_semaphore, #tpu.memory_space<semaphore_mem>>, %arg16: memref<!tpu.dma_semaphore, #tpu.memory_space<semaphore_mem>>, %arg17: memref<!tpu.dma_semaphore, #tpu.memory_space<semaphore_mem>>, %arg18: memref<!tpu.dma_semaphore, #tpu.memory_space<semaphore_mem>>, %arg19: memref<!tpu.dma_semaphore, #tpu.memory_space<semaphore_mem>>) attributes {dimension_semantics = [#tpu.dimension_semantics<core_parallel>, #tpu.dimension_semantics<subcore_parallel>], iteration_bounds = array<i64: 2, 16>, scalar_prefetch = 0 : i64, scratch_operands = 11 : i64, tpu.core_type = #tpu.core_type<sc_vector_subcore>, window_params = [{transform_indices = #map}, {transform_indices = #map1}, {transform_indices = #map}, {transform_indices = #map}, {transform_indices = #map1}, {transform_indices = #map}, {transform_indices = #map}]} {
    %mul3A = arith.constant 2 : i32
    %mul3A_0 = arith.muli %arg1, %mul3A : i32
    %add3A = arith.addi %mul3A_0, %arg0 : i32
    %mul3A_1 = arith.constant 128 : i32
    %mul3A_2 = arith.muli %add3A, %mul3A_1 : i32
    %dma_start3A = arith.constant 0 : i32
    %dma_start3A_3 = tpu.memref_slice %arg3[%mul3A_2, %dma_start3A] : memref<4096x128xf32, #tpu.memory_space<hbm>> -> memref<128x128xf32, #tpu.memory_space<hbm>>
    %dma_start3A_4 = arith.constant 0 : i32
    %dma_start3A_5 = tpu.memref_slice %arg3[%mul3A_2, %dma_start3A_4] : memref<4096x128xf32, #tpu.memory_space<hbm>> -> memref<128x128xf32, #tpu.memory_space<hbm>>
    tpu.enqueue_dma source(%dma_start3A_5 : memref<128x128xf32, #tpu.memory_space<hbm>>) target(%arg10 : memref<128x128xf32, #tpu.memory_space<vmem>>) target_semaphore(%arg15 : memref<!tpu.dma_semaphore, #tpu.memory_space<semaphore_mem>>)
    tpu.enqueue_dma source(%arg2 : memref<4096xi32, #tpu.memory_space<hbm>>) target(%arg11 : memref<4096xi32, #tpu.memory_space<vmem>>) target_semaphore(%arg16 : memref<!tpu.dma_semaphore, #tpu.memory_space<semaphore_mem>>)
    tpu.enqueue_dma source(%arg5 : memref<4096xf32, #tpu.memory_space<hbm>>) target(%arg12 : memref<4096xf32, #tpu.memory_space<vmem>>) target_semaphore(%arg17 : memref<!tpu.dma_semaphore, #tpu.memory_space<semaphore_mem>>)
    "tpu.region"() ({
      %run_scoped3A = tpu.sem_alloc : memref<!tpu.dma_semaphore, #tpu.memory_space<semaphore_mem>>
      %dma_start3A_27 = tpu.memref_slice %arg2[%mul3A_2] : memref<4096xi32, #tpu.memory_space<hbm>> -> memref<128xi32, #tpu.memory_space<hbm>>
      %dma_start3A_28 = tpu.memref_slice %arg2[%mul3A_2] : memref<4096xi32, #tpu.memory_space<hbm>> -> memref<128xi32, #tpu.memory_space<hbm>>
      tpu.enqueue_dma source(%dma_start3A_28 : memref<128xi32, #tpu.memory_space<hbm>>) target(%arg9 : memref<128xi32, #tpu.memory_space<vmem>>) target_semaphore(%run_scoped3A : memref<!tpu.dma_semaphore, #tpu.memory_space<semaphore_mem>>)
      %dma_wait3A_29 = tpu.memref_slice %arg2[%mul3A_2] : memref<4096xi32, #tpu.memory_space<hbm>> -> memref<128xi32, #tpu.memory_space<hbm>>
      %dma_wait3A_30 = tpu.memref_slice %arg2[%mul3A_2] : memref<4096xi32, #tpu.memory_space<hbm>> -> memref<128xi32, #tpu.memory_space<hbm>>
      tpu.wait_dma2 semaphore(%run_scoped3A : memref<!tpu.dma_semaphore, #tpu.memory_space<semaphore_mem>>) src(%dma_wait3A_30 : memref<128xi32, #tpu.memory_space<hbm>>) dst(%arg9 : memref<128xi32, #tpu.memory_space<vmem>>)
      tpu.yield
    }) : () -> ()
    %mul3A_6 = arith.constant 1024 : i32
    %mul3A_7 = arith.muli %add3A, %mul3A_6 : i32
    %dma_start3A_8 = tpu.memref_slice %arg4[%mul3A_7] : memref<32768xf32, #tpu.memory_space<hbm>> -> memref<1024xf32, #tpu.memory_space<hbm>>
    %dma_start3A_9 = tpu.memref_slice %arg4[%mul3A_7] : memref<32768xf32, #tpu.memory_space<hbm>> -> memref<1024xf32, #tpu.memory_space<hbm>>
    tpu.enqueue_dma source(%dma_start3A_9 : memref<1024xf32, #tpu.memory_space<hbm>>) target(%arg14 : memref<1024xf32, #tpu.memory_space<vmem>>) target_semaphore(%arg19 : memref<!tpu.dma_semaphore, #tpu.memory_space<semaphore_mem>>)
    %dma_wait3A = arith.constant 0 : i32
    %dma_wait3A_10 = tpu.memref_slice %arg3[%mul3A_2, %dma_wait3A] : memref<4096x128xf32, #tpu.memory_space<hbm>> -> memref<128x128xf32, #tpu.memory_space<hbm>>
    %dma_wait3A_11 = arith.constant 0 : i32
    %dma_wait3A_12 = tpu.memref_slice %arg3[%mul3A_2, %dma_wait3A_11] : memref<4096x128xf32, #tpu.memory_space<hbm>> -> memref<128x128xf32, #tpu.memory_space<hbm>>
    tpu.wait_dma2 semaphore(%arg15 : memref<!tpu.dma_semaphore, #tpu.memory_space<semaphore_mem>>) src(%dma_wait3A_12 : memref<128x128xf32, #tpu.memory_space<hbm>>) dst(%arg10 : memref<128x128xf32, #tpu.memory_space<vmem>>)
    %dma_start3A_13 = arith.constant 0 : i32
    %dma_start3A_14 = arith.constant 0 : i32
    %dma_start3A_15 = tpu.memref_slice %arg6[%dma_start3A_13, %dma_start3A_14] : memref<32768x128xf32, #tpu.memory_space<hbm>> -> memref<32768x128xf32, #tpu.memory_space<hbm>>
    tpu.enqueue_indirect_dma source(%arg10 : memref<128x128xf32, #tpu.memory_space<vmem>>) target(%dma_start3A_15 : memref<32768x128xf32, #tpu.memory_space<hbm>>) offsets(%arg9 : memref<128xi32, #tpu.memory_space<vmem>>) semaphore(%arg18 : memref<!tpu.dma_semaphore, #tpu.memory_space<semaphore_mem>>)
    %parallel_loop3A = arith.constant 0 : i32
    %parallel_loop3A_16 = arith.constant 64 : i32
    %parallel_loop3A_17 = arith.constant 1 : i32
    scf.for %parallel_loop3A_27 = %parallel_loop3A to %parallel_loop3A_16 step %parallel_loop3A_17  : i32 {
      %parallel_loop3A_28 = arith.constant 0.000000e+00 : f32
      %parallel_loop3A_29 = vector.broadcast %parallel_loop3A_28 : f32 to vector<16xf32>
      %parallel_loop3A_30 = arith.constant 16 : i32
      %parallel_loop3A_31 = arith.muli %parallel_loop3A_27, %parallel_loop3A_30 : i32
      %parallel_loop3A_32 = arith.index_cast %parallel_loop3A_31 : i32 to index
      %parallel_loop3A_33 = tpu.vector_load %arg13[%parallel_loop3A_32] {strides = array<i32>} : memref<1024xf32, #tpu.memory_space<vmem>>, vector<16xf32>,
      tpu.vector_store %arg13[%parallel_loop3A_32], %parallel_loop3A_29 {strides = array<i32>} : memref<1024xf32, #tpu.memory_space<vmem>>, vector<16xf32>,
    } {sc.loop_unroll_factor = 4 : i64, sc.parallel_access}
    tpu.wait_dma2 semaphore(%arg16 : memref<!tpu.dma_semaphore, #tpu.memory_space<semaphore_mem>>) src(%arg2 : memref<4096xi32, #tpu.memory_space<hbm>>) dst(%arg11 : memref<4096xi32, #tpu.memory_space<vmem>>)
    tpu.wait_dma2 semaphore(%arg17 : memref<!tpu.dma_semaphore, #tpu.memory_space<semaphore_mem>>) src(%arg5 : memref<4096xf32, #tpu.memory_space<hbm>>) dst(%arg12 : memref<4096xf32, #tpu.memory_space<vmem>>)
    %dma_wait3A_18 = tpu.memref_slice %arg4[%mul3A_7] : memref<32768xf32, #tpu.memory_space<hbm>> -> memref<1024xf32, #tpu.memory_space<hbm>>
    %dma_wait3A_19 = tpu.memref_slice %arg4[%mul3A_7] : memref<32768xf32, #tpu.memory_space<hbm>> -> memref<1024xf32, #tpu.memory_space<hbm>>
    tpu.wait_dma2 semaphore(%arg19 : memref<!tpu.dma_semaphore, #tpu.memory_space<semaphore_mem>>) src(%dma_wait3A_19 : memref<1024xf32, #tpu.memory_space<hbm>>) dst(%arg14 : memref<1024xf32, #tpu.memory_space<vmem>>)
    %broadcast_in_dim3A = arith.constant 1.000000e+00 : f32
    %broadcast_in_dim3A_20 = vector.broadcast %broadcast_in_dim3A : f32 to vector<16xf32>
    %parallel_loop3A_21 = arith.constant 0 : i32
    %parallel_loop3A_22 = arith.constant 256 : i32
    %parallel_loop3A_23 = arith.constant 1 : i32
    scf.for %parallel_loop3A_27 = %parallel_loop3A_21 to %parallel_loop3A_22 step %parallel_loop3A_23  : i32 {
      %parallel_loop3A_28 = arith.constant 16 : i32
      %parallel_loop3A_29 = arith.muli %parallel_loop3A_27, %parallel_loop3A_28 : i32
      %parallel_loop3A_30 = arith.index_cast %parallel_loop3A_29 : i32 to index
      %parallel_loop3A_31 = tpu.vector_load %arg11[%parallel_loop3A_30] {strides = array<i32>} : memref<4096xi32, #tpu.memory_space<vmem>>, vector<16xi32>,
      %parallel_loop3A_32 = arith.constant 16 : i32
      %parallel_loop3A_33 = arith.muli %parallel_loop3A_27, %parallel_loop3A_32 : i32
      %parallel_loop3A_34 = arith.index_cast %parallel_loop3A_33 : i32 to index
      %parallel_loop3A_35 = tpu.vector_load %arg12[%parallel_loop3A_34] {strides = array<i32>} : memref<4096xf32, #tpu.memory_space<vmem>>, vector<16xf32>,
      %parallel_loop3A_36 = vector.broadcast %mul3A_7 : i32 to vector<16xi32>
      %parallel_loop3A_37 = arith.subi %parallel_loop3A_31, %parallel_loop3A_36 : vector<16xi32>
      %parallel_loop3A_38 = arith.constant 0 : i32
      %parallel_loop3A_39 = vector.broadcast %parallel_loop3A_38 : i32 to vector<16xi32>
      %parallel_loop3A_40 = arith.cmpi sge, %parallel_loop3A_37, %parallel_loop3A_39 : vector<16xi32>
      %parallel_loop3A_41 = arith.constant 1024 : i32
      %parallel_loop3A_42 = vector.broadcast %parallel_loop3A_41 : i32 to vector<16xi32>
      %parallel_loop3A_43 = arith.cmpi slt, %parallel_loop3A_37, %parallel_loop3A_42 : vector<16xi32>
      %parallel_loop3A_44 = arith.andi %parallel_loop3A_40, %parallel_loop3A_43 : vector<16xi1>
      %parallel_loop3A_45 = arith.constant 0 : i32
      %parallel_loop3A_46 = arith.constant 1023 : i32
      %parallel_loop3A_47 = vector.broadcast %parallel_loop3A_45 : i32 to vector<16xi32>
      %parallel_loop3A_48 = arith.maxsi %parallel_loop3A_47, %parallel_loop3A_37 : vector<16xi32>
      %parallel_loop3A_49 = vector.broadcast %parallel_loop3A_46 : i32 to vector<16xi32>
      %parallel_loop3A_50 = arith.minsi %parallel_loop3A_49, %parallel_loop3A_48 : vector<16xi32>
      tpu.vector_store_idx %arg13[%parallel_loop3A_50], %broadcast_in_dim3A_20 masked %parallel_loop3A_44 : memref<1024xf32, #tpu.memory_space<vmem>>[vector<16xi32>], vector<16xf32>, vector<16xi1>
      tpu.vector_store_idx %arg14[%parallel_loop3A_50], %parallel_loop3A_35 masked %parallel_loop3A_44 : memref<1024xf32, #tpu.memory_space<vmem>>[vector<16xi32>], vector<16xf32>, vector<16xi1>
    } {sc.loop_unroll_factor = 8 : i64, sc.parallel_access}
    "tpu.region"() ({
      %run_scoped3A = tpu.sem_alloc : memref<!tpu.dma_semaphore, #tpu.memory_space<semaphore_mem>>
      %dma_start3A_27 = tpu.memref_slice %arg7[%mul3A_7] : memref<32768xf32, #tpu.memory_space<hbm>> -> memref<1024xf32, #tpu.memory_space<hbm>>
      %dma_start3A_28 = tpu.memref_slice %arg7[%mul3A_7] : memref<32768xf32, #tpu.memory_space<hbm>> -> memref<1024xf32, #tpu.memory_space<hbm>>
      tpu.enqueue_dma source(%arg13 : memref<1024xf32, #tpu.memory_space<vmem>>) target(%dma_start3A_28 : memref<1024xf32, #tpu.memory_space<hbm>>) target_semaphore(%run_scoped3A : memref<!tpu.dma_semaphore, #tpu.memory_space<semaphore_mem>>)
      %dma_wait3A_29 = tpu.memref_slice %arg7[%mul3A_7] : memref<32768xf32, #tpu.memory_space<hbm>> -> memref<1024xf32, #tpu.memory_space<hbm>>
      %dma_wait3A_30 = tpu.memref_slice %arg7[%mul3A_7] : memref<32768xf32, #tpu.memory_space<hbm>> -> memref<1024xf32, #tpu.memory_space<hbm>>
      tpu.wait_dma2 semaphore(%run_scoped3A : memref<!tpu.dma_semaphore, #tpu.memory_space<semaphore_mem>>) src(%arg13 : memref<1024xf32, #tpu.memory_space<vmem>>) dst(%dma_wait3A_30 : memref<1024xf32, #tpu.memory_space<hbm>>)
      tpu.yield
    }) : () -> ()
    "tpu.region"() ({
      %run_scoped3A = tpu.sem_alloc : memref<!tpu.dma_semaphore, #tpu.memory_space<semaphore_mem>>
      %dma_start3A_27 = tpu.memref_slice %arg8[%mul3A_7] : memref<32768xf32, #tpu.memory_space<hbm>> -> memref<1024xf32, #tpu.memory_space<hbm>>
      %dma_start3A_28 = tpu.memref_slice %arg8[%mul3A_7] : memref<32768xf32, #tpu.memory_space<hbm>> -> memref<1024xf32, #tpu.memory_space<hbm>>
      tpu.enqueue_dma source(%arg14 : memref<1024xf32, #tpu.memory_space<vmem>>) target(%dma_start3A_28 : memref<1024xf32, #tpu.memory_space<hbm>>) target_semaphore(%run_scoped3A : memref<!tpu.dma_semaphore, #tpu.memory_space<semaphore_mem>>)
      %dma_wait3A_29 = tpu.memref_slice %arg8[%mul3A_7] : memref<32768xf32, #tpu.memory_space<hbm>> -> memref<1024xf32, #tpu.memory_space<hbm>>
      %dma_wait3A_30 = tpu.memref_slice %arg8[%mul3A_7] : memref<32768xf32, #tpu.memory_space<hbm>> -> memref<1024xf32, #tpu.memory_space<hbm>>
      tpu.wait_dma2 semaphore(%run_scoped3A : memref<!tpu.dma_semaphore, #tpu.memory_space<semaphore_mem>>) src(%arg14 : memref<1024xf32, #tpu.memory_space<vmem>>) dst(%dma_wait3A_30 : memref<1024xf32, #tpu.memory_space<hbm>>)
      tpu.yield
    }) : () -> ()
    %dma_wait3A_24 = arith.constant 0 : i32
    %dma_wait3A_25 = arith.constant 0 : i32
    %dma_wait3A_26 = tpu.memref_slice %arg6[%dma_wait3A_24, %dma_wait3A_25] : memref<32768x128xf32, #tpu.memory_space<hbm>> -> memref<32768x128xf32, #tpu.memory_space<hbm>>
    tpu.wait_indirect_dma semaphore(%arg18 : memref<!tpu.dma_semaphore, #tpu.memory_space<semaphore_mem>>) src(%arg10 : memref<128x128xf32, #tpu.memory_space<vmem>>) dst(%dma_wait3A_26 : memref<32768x128xf32, #tpu.memory_space<hbm>>)
    return
  }
}

module attributes {stable_mosaic.version = 14 : i64} {
  func.func @_z_body(%arg0: i32, %arg1: memref<512x1024xf32, #tpu.memory_space<vmem>>, %arg2: memref<128x1024xf32, #tpu.memory_space<vmem>>, %arg3: memref<512x128xf32, #tpu.memory_space<vmem>>) attributes {dimension_semantics = [#tpu.dimension_semantics<arbitrary>], iteration_bounds = array<i64: 8>, scalar_prefetch = 0 : i64, scratch_operands = 0 : i64, tpu.core_type = #tpu.core_type<tc>, window_params = [{transform_indices = @transform_0, window_bounds = array<i64: 512, 1024>}, {pipeline_mode = #tpu.pipeline_mode<synchronous>, transform_indices = @transform_1, window_bounds = array<i64: 128, 1024>}, {transform_indices = @transform_2, window_bounds = array<i64: 512, 128>}]} {
    %get3A = arith.constant 0 : index
    %get3A_0 = arith.constant 0 : index
    %get3A_1 = vector.load %arg1[%get3A, %get3A_0] : memref<512x1024xf32, #tpu.memory_space<vmem>>, vector<512x1024xf32>
    %get3A_2 = arith.constant 0 : index
    %get3A_3 = arith.constant 0 : index
    %get3A_4 = vector.load %arg2[%get3A_2, %get3A_3] : memref<128x1024xf32, #tpu.memory_space<vmem>>, vector<128x1024xf32>
    %dot_general3A = arith.constant dense<0.000000e+00> : vector<512x128xf32>
    %dot_general3A_5 = tpu.matmul %get3A_1, %get3A_4, %dot_general3A {dimension_numbers = #tpu.dot_dimension_numbers<[1], [1], [0], [0], [0, 0, 1, 0], [], []>, transpose_lhs_hint = false} : vector<512x1024xf32>, vector<128x1024xf32>, vector<512x128xf32> -> vector<512x128xf32>
    %swap3A = arith.constant 0 : index
    %swap3A_6 = arith.constant 0 : index
    %swap3A_7 = vector.load %arg3[%swap3A, %swap3A_6] : memref<512x128xf32, #tpu.memory_space<vmem>>, vector<512x128xf32>
    tpu.vector_store %arg3[%swap3A, %swap3A_6], %dot_general3A_5 {strides = array<i32>} : memref<512x128xf32, #tpu.memory_space<vmem>>, vector<512x128xf32>,
    return
  }
  func.func @transform_0(%arg0: i32) -> (i32, i32) {
    %c0_i32 = arith.constant 0 : i32
    %c0_i32_0 = arith.constant 0 : i32
    return %arg0, %c0_i32 : i32, i32
  }
  func.func @transform_1(%arg0: i32) -> (i32, i32) {
    %c0_i32 = arith.constant 0 : i32
    %c0_i32_0 = arith.constant 0 : i32
    %c0_i32_1 = arith.constant 0 : i32
    return %c0_i32, %c0_i32_0 : i32, i32
  }
  func.func @transform_2(%arg0: i32) -> (i32, i32) {
    %c0_i32 = arith.constant 0 : i32
    %c0_i32_0 = arith.constant 0 : i32
    return %arg0, %c0_i32 : i32, i32
  }
}

module attributes {stable_mosaic.version = 14 : i64} {
  func.func @_main_body(%arg0: i32, %arg1: memref<128x1024xf32, #tpu.memory_space<vmem>>, %arg2: memref<2048x1024xf32, #tpu.memory_space<vmem>>, %arg3: memref<1x2048xf32, #tpu.memory_space<vmem>>, %arg4: memref<1x2048xf32, #tpu.memory_space<vmem>>, %arg5: memref<2048x128xf32, #tpu.memory_space<vmem>>, %arg6: memref<128x2048xf32, #tpu.memory_space<vmem>>) attributes {dimension_semantics = [#tpu.dimension_semantics<arbitrary>], iteration_bounds = array<i64: 16>, scalar_prefetch = 0 : i64, scratch_operands = 0 : i64, tpu.core_type = #tpu.core_type<tc>, window_params = [{pipeline_mode = #tpu.pipeline_mode<synchronous>, transform_indices = @transform_0, window_bounds = array<i64: 128, 1024>}, {transform_indices = @transform_1, window_bounds = array<i64: 2048, 1024>}, {transform_indices = @transform_2, window_bounds = array<i64: 1, 2048>}, {transform_indices = @transform_3, window_bounds = array<i64: 1, 2048>}, {transform_indices = @transform_4, window_bounds = array<i64: 2048, 128>}, {transform_indices = @transform_5, window_bounds = array<i64: 128, 2048>}]} {
    %get3A = arith.constant 0 : index
    %get3A_0 = arith.constant 0 : index
    %get3A_1 = vector.load %arg1[%get3A, %get3A_0] : memref<128x1024xf32, #tpu.memory_space<vmem>>, vector<128x1024xf32>
    %get3A_2 = arith.constant 0 : index
    %get3A_3 = arith.constant 0 : index
    %get3A_4 = vector.load %arg2[%get3A_2, %get3A_3] : memref<2048x1024xf32, #tpu.memory_space<vmem>>, vector<2048x1024xf32>
    %dot_general3A = arith.constant dense<0.000000e+00> : vector<128x2048xf32>
    %dot_general3A_5 = tpu.matmul %get3A_1, %get3A_4, %dot_general3A {dimension_numbers = #tpu.dot_dimension_numbers<[1], [1], [0], [0], [0, 0, 1, 0], [], []>, transpose_lhs_hint = false} : vector<128x1024xf32>, vector<2048x1024xf32>, vector<128x2048xf32> -> vector<128x2048xf32>
    %get3A_6 = arith.constant 0 : index
    %get3A_7 = arith.constant 0 : index
    %get3A_8 = vector.load %arg5[%get3A_6, %get3A_7] : memref<2048x128xf32, #tpu.memory_space<vmem>>, vector<2048x128xf32>
    %transpose3A = tpu.transpose %get3A_8, [1, 0] : vector<2048x128xf32> -> vector<128x2048xf32>
    %get3A_9 = arith.constant 0 : index
    %get3A_10 = arith.constant 0 : index
    %get3A_11 = vector.load %arg4[%get3A_9, %get3A_10] : memref<1x2048xf32, #tpu.memory_space<vmem>>, vector<1x2048xf32>
    %gt3A = arith.constant 5.000000e-01 : f32
    %gt3A_12 = vector.broadcast %gt3A : f32 to vector<1x2048xf32>
    %gt3A_13 = arith.cmpf ogt, %get3A_11, %gt3A_12 : vector<1x2048xf32>
    %broadcast_in_dim3A = vector.shape_cast %gt3A_13 : vector<1x2048xi1> to vector<1x2048xi1>
    %broadcast_in_dim3A_14 = vector.broadcast %broadcast_in_dim3A : vector<1x2048xi1> to vector<128x2048xi1>
    %select_n3A = arith.select %broadcast_in_dim3A_14, %transpose3A, %dot_general3A_5 : vector<128x2048xi1>, vector<128x2048xf32>
    %get3A_15 = arith.constant 0 : index
    %get3A_16 = arith.constant 0 : index
    %get3A_17 = vector.load %arg3[%get3A_15, %get3A_16] : memref<1x2048xf32, #tpu.memory_space<vmem>>, vector<1x2048xf32>
    %add3A = vector.broadcast %get3A_17 : vector<1x2048xf32> to vector<128x2048xf32>
    %add3A_18 = arith.addf %select_n3A, %add3A : vector<128x2048xf32>
    %max3A = arith.constant 0.000000e+00 : f32
    %max3A_19 = vector.broadcast %max3A : f32 to vector<128x2048xf32>
    %max3A_20 = arith.maximumf %add3A_18, %max3A_19 : vector<128x2048xf32>
    %swap3A = arith.constant 0 : index
    %swap3A_21 = arith.constant 0 : index
    %swap3A_22 = vector.load %arg6[%swap3A, %swap3A_21] : memref<128x2048xf32, #tpu.memory_space<vmem>>, vector<128x2048xf32>
    tpu.vector_store %arg6[%swap3A, %swap3A_21], %max3A_20 {strides = array<i32>} : memref<128x2048xf32, #tpu.memory_space<vmem>>, vector<128x2048xf32>,
    return
  }
  func.func @transform_0(%arg0: i32) -> (i32, i32) {
    %c0_i32 = arith.constant 0 : i32
    %c0_i32_0 = arith.constant 0 : i32
    %c0_i32_1 = arith.constant 0 : i32
    return %c0_i32, %c0_i32_0 : i32, i32
  }
  func.func @transform_1(%arg0: i32) -> (i32, i32) {
    %c0_i32 = arith.constant 0 : i32
    %c0_i32_0 = arith.constant 0 : i32
    return %arg0, %c0_i32 : i32, i32
  }
  func.func @transform_2(%arg0: i32) -> (i32, i32) {
    %c0_i32 = arith.constant 0 : i32
    %c0_i32_0 = arith.constant 0 : i32
    return %c0_i32, %arg0 : i32, i32
  }
  func.func @transform_3(%arg0: i32) -> (i32, i32) {
    %c0_i32 = arith.constant 0 : i32
    %c0_i32_0 = arith.constant 0 : i32
    return %c0_i32, %arg0 : i32, i32
  }
  func.func @transform_4(%arg0: i32) -> (i32, i32) {
    %c0_i32 = arith.constant 0 : i32
    %c0_i32_0 = arith.constant 0 : i32
    return %arg0, %c0_i32 : i32, i32
  }
  func.func @transform_5(%arg0: i32) -> (i32, i32) {
    %c0_i32 = arith.constant 0 : i32
    %c0_i32_0 = arith.constant 0 : i32
    return %c0_i32, %arg0 : i32, i32
  }
}

</mosaic_0001>

<sc_bundles>
// kernel: kernel.5.cloned.1.call-start
scs
__scs_entry_jumppad:
0x0: {  	(pc) =	sbr.rel $0x88, $3  }
0x1: {  	(tag) =	ssettag $0x0;
	lr =	simm.s32 $0x1  }
0x2: {  	[smem:$0x3F9B] =	sst lr;
	_ =	strace $0xD0000000  }
0x3: {  	_ = 	snop  }
0x4: {  	_ = 	snop  }
0x5: {  	_ = 	snop  }
0x6: {  	_ = 	snop  }
0x7: {  	_ = 	snop  }
__scs_overlays_trampoline_lowered:
0x8: {  	[smem:$0x3FAA] =	sst s0  }
0x9: {  	[smem:$0x3FAB] =	sst s1  }
0xa: {  	[smem:$0x3FAC] =	sst s2  }
0xb: {  	[smem:$0x3FAD] =	sst s3  }
0xc: {  	[smem:$0x3FAE] =	sst s4  }
0xd: {  	[smem:$0x3FAF] =	sst s5  }
0xe: {  	[smem:$0x3FB0] =	sst s6  }
0xf: {  	[smem:$0x3FB1] =	sst s7  }
0x10: {  	[smem:$0x3FB2] =	sst s8  }
0x11: {  	[smem:$0x3FB3] =	sst s9;
	s0 =	simm.s32 @!p0 $0x0  }
0x12: {  	s1 =	sld [smem:$0x3F99];
	s0 =	simm.s32 @p0 $0x1  }
0x13: {  	[smem:$0x3FB4] =	sst s0;
	s0 =	simm.s32 @!p1 $0x0  }
0x14: {  	s2 =	sld [smem:$0x3F98];
	s0 =	simm.s32 @p1 $0x1  }
0x15: {  	[smem:$0x3FB5] =	sst s0;
	s0 =	simm.s32 @!p2 $0x0  }
0x16: {  	s3 =	sld [smem:$0x3FDB];
	s0 =	simm.s32 @p2 $0x1  }
0x17: {  	s4 =	simm.s32 $0x1BF5;
	[smem:$0x3FB7] =	sst s0  }
0x18: {  	s0 =	sld [smem:$0x3F9A];
	_ =	swait.ge [sflag:s4], $0x0  }
0x19: {  	s7 =	sld [smem:$0x3F9B]  }
0x1a: {  	s8 =	sadd.s32 $0xFFFFE003, lr  }
0x1b: {  	s9 =	sadd.s32 $0xFFFFFEF7, lr;
	s5 =	simm.s32 $0xFFFFFFFF;
	p2 =	slt.u32 s8, $0xFFFFF086  }
0x1c: {  	p1 =	slt.u32 s9, $0xF7A;
	s5 =	simm.s32 @!p2 $0x0  }
0x1d: {  	s5 =	simm.s32 @p1 $0x1;
	p0 =	seq.s32 s7, s2  }
0x1e: {  	s7 =	smul.u32 @!p0 $0xF7A, s2;
	p2 =	seq.s32 @!p0 s5, $0x0  }
0x1f: {  	s9 =	smul.u32 $0xF7A, s1;
	s8 =	simm.s32 @!p0 $0x1BF5;
	p2 =	por !p2, p0  }
0x20: {  	[sflag:s8] =	ssyncset.s32 @!p0 $0xFFFFF086;
	s6 =	sadd.s32 @!p0 s3, s7;
	s7 =	simm.s32 @!p0 $0x108  }
0x21: {  	s3 =	sadd.s32 s3, s9;
	s6 =	sadd.s32 @!p0 $0x88, s6;
	s7 =	simm.s32 @p2 $0x1082  }
0x22: {  	[simem:s7], [sflag:s8] =	dma.local @!p0 [hbm:s6], $0xF7A  }
0x23: {  	s9 =	sor.u32 $0xD0000000, s2;
	s6 =	simm.s32 $0x108;
	_ =	swait.ge @!p0 [sflag:s8], $0x0  }
0x24: {  	s3 =	sadd.s32 $0x88, s3;
	s6 =	simm.s32 @!p1 $0x1082;
	[sflag:s4] =	ssyncset.s32 $0xFFFFF086  }
0x25: {  	[simem:s6], [sflag:s4] =	dma.local [hbm:s3], $0xF7A  }
0x26: {  	[smem:$0x3F9B] =	sst s1;
	(tag) =	ssettag s2;
	_ =	strace s9  }
0x27: {  	s1 =	sld [smem:$0x3FAB]  }
0x28: {  	s2 =	sld [smem:$0x3FAC]  }
0x29: {  	s4 =	sld [smem:$0x3FAE]  }
0x2a: {  	p0 =	seq.s32 s5, $0x0;
	s5 =	sld [smem:$0x3FAF]  }
0x2b: {  	s6 =	sld [smem:$0x3FB0]  }
0x2c: {  	s7 =	sld [smem:$0x3FB1]  }
0x2d: {  	s3 =	simm.s32 $0x108;
	s8 =	sld [smem:$0x3FB2]  }
0x2e: {  	s3 =	simm.s32 @!p0 $0x1082;
	s9 =	sld [smem:$0x3FB3]  }
0x2f: {  	lr =	sadd.s32 s0, s3;
	s0 =	sld [smem:$0x3FAA]  }
0x30: {  	s3 =	sld [smem:$0x3FAD]  }
0x31: {  	[smem:$0x3FB6] =	sst s10  }
0x32: {  	s10 =	sld [smem:$0x3FB4];
	_ =	sdelay $0x3  }
0x33: {  	p0 =	seq.s32 s10, $0x1;
	s10 =	sld [smem:$0x3FB6];
	_ =	sdelay $0x3  }
0x34: {  	[smem:$0x3FB6] =	sst s10  }
0x35: {  	s10 =	sld [smem:$0x3FB5];
	_ =	sdelay $0x3  }
0x36: {  	p1 =	seq.s32 s10, $0x1;
	s10 =	sld [smem:$0x3FB6];
	_ =	sdelay $0x3  }
0x37: {  	[smem:$0x3FB6] =	sst s10  }
0x38: {  	s10 =	sld [smem:$0x3FB7]  }
0x39: {  	_ = 	snop;
	(pc) =	sbr.ind lr, $3  }
0x3a: {  	_ = 	snop  }
0x3b: {  	_ = 	snop  }
0x3c: {  	p2 =	seq.s32 s10, $0x1;
	s10 =	sld [smem:$0x3FB6]  }
0x3d: {  	_ =	shalt  }
0x3e: {  	_ =	shalt  }
0x3f: {  	_ =	shalt  }
0x40: {  	_ =	shalt  }
0x41: {  	_ =	shalt  }
0x42: {  	_ =	shalt  }
0x43: {  	_ =	shalt  }
0x44: {  	_ =	shalt  }
0x45: {  	_ =	shalt  }
0x46: {  	_ =	shalt  }
0x47: {  	_ =	shalt  }
0x48: {  	_ =	shalt  }
0x49: {  	_ =	shalt  }
0x4a: {  	_ =	shalt  }
0x4b: {  	_ =	shalt  }
0x4c: {  	_ =	shalt  }
0x4d: {  	_ =	shalt  }
0x4e: {  	_ =	shalt  }
0x4f: {  	_ =	shalt  }
0x50: {  	_ =	shalt  }
0x51: {  	_ =	shalt  }
0x52: {  	_ =	shalt  }
0x53: {  	_ =	shalt  }
0x54: {  	_ =	shalt  }
0x55: {  	_ =	shalt  }
0x56: {  	_ =	shalt  }
0x57: {  	_ =	shalt  }
0x58: {  	_ =	shalt  }
0x59: {  	_ =	shalt  }
0x5a: {  	_ =	shalt  }
0x5b: {  	_ =	shalt  }
0x5c: {  	_ =	shalt  }
0x5d: {  	_ =	shalt  }
0x5e: {  	_ =	shalt  }
0x5f: {  	_ =	shalt  }
0x60: {  	_ =	shalt  }
0x61: {  	_ =	shalt  }
0x62: {  	_ =	shalt  }
0x63: {  	_ =	shalt  }
0x64: {  	_ =	shalt  }
0x65: {  	_ =	shalt  }
0x66: {  	_ =	shalt  }
0x67: {  	_ =	shalt  }
0x68: {  	_ =	shalt  }
0x69: {  	_ =	shalt  }
0x6a: {  	_ =	shalt  }
0x6b: {  	_ =	shalt  }
0x6c: {  	_ =	shalt  }
0x6d: {  	_ =	shalt  }
0x6e: {  	_ =	shalt  }
0x6f: {  	_ =	shalt  }
0x70: {  	_ =	shalt  }
0x71: {  	_ =	shalt  }
0x72: {  	_ =	shalt  }
0x73: {  	_ =	shalt  }
0x74: {  	_ =	shalt  }
0x75: {  	_ =	shalt  }
0x76: {  	_ =	shalt  }
0x77: {  	_ =	shalt  }
0x78: {  	_ =	shalt  }
0x79: {  	_ =	shalt  }
0x7a: {  	_ =	shalt  }
0x7b: {  	_ =	shalt  }
0x7c: {  	_ =	shalt  }
0x7d: {  	_ =	shalt  }
0x7e: {  	_ =	shalt  }
0x7f: {  	_ =	shalt  }
0x80: {  	_ =	shalt  }
0x81: {  	_ =	shalt  }
0x82: {  	_ =	shalt  }
0x83: {  	_ =	shalt  }
0x84: {  	_ =	shalt  }
0x85: {  	_ =	shalt  }
0x86: {  	_ =	shalt  }
0x87: {  	_ =	shalt  }
.Lfunc_end0:
.L_simem_size_0:
called_computation_lowered:
.L_overlay_start_0:
0x88: {  	s2 =	sld [smem:$0x3FD9]  }
0x89: {  	s3 =	sld [smem:$0x3FFE];
	_ =	sdelay $0x1  }
0x8a: {  	s1 =	srdreg.scid  }
0x8b: {  	s0 =	sand.u32 $0x1, s1  }
0x8c: {  	s17 =	sshll.u32 s0, $0xA;
	s2 =	sadd.s32 s3, s2  }
0x8d: {  	s2 =	sadd.s32 s2, s17  }
0x8e: {  	[smem:$0x3FC2] =	sst s2  }
0x8f: {  	_ = 	snop  }
0x90: {  	s2 =	sld [smem:$0x3FC7]  }
0x91: {  	s18 =	sld [smem:$0x3FC6]  }
0x92: {  	s4 =	sld [smem:$0x3FC4]  }
0x93: {  	s5 =	sld [smem:$0x3FD0];
	(tm) =	ssettm $0x1  }
0x94: {  	s6 =	sld [smem:$0x3FFB];
	_ =	sdelay $0x3  }
0x95: {  	_ =	strace s6  }
0x96: {  	s6 =	sld [smem:$0x3FFC];
	_ =	sdelay $0x3  }
0x97: {  	_ =	strace s6  }
0x98: {  	s6 =	sld [smem:$0x3FFD];
	_ =	sdelay $0x3  }
0x99: {  	_ =	strace s6  }
0x9a: {  	_ =	strace $0x8FFFFFFF  }
0x9b: {  	s19 =	sld [smem:$0x3FDB];
	_ =	sdelay $0x1  }
0x9c: {  	s7 =	simm.s32 $_scs_section_size  }
0x9d: {  	s8 =	simm.s32 $_size__tile_overlayer_lowered;
	s9 =	simm.s32 $_tile_overlayer_lowered  }
0x9e: {  	s22 =	simm.s32 $0x1BFF;
	s21 =	sshll.u32 s9, $0x1;
	s6 =	sadd.s32 s7, s19  }
0x9f: {  	s10 =	simm.s32 $0x0;
	s20 =	sshll.u32 s8, $0x1;
	s8 =	sadd.s32 s21, s6  }
0xa0: {  	[timem:s10], [sflag:s22] =	dma.local [hbm:s8], s20  }
0xa1: {  	_ =	swait.ge [sflag:s22], s20  }
0xa2: {  	s7 =	ssub.s32 $0x0, s20;
	[sflag:s22] =	ssyncset.done $0x0  }
0xa3: {  	[sflag:s22] =	ssyncadd.s32 s7;
	_ =	sdelay $0x1  }
0xa4: {  	s23 =	simm.s32 $0x1B8B  }
0xa5: {  	_ =	swait.ge [sflag:s23], $0x1  }
0xa6: {  	[sflag:s23] =	ssyncset.done $0x0  }
0xa7: {  	s25 =	simm.s32 $0x1B8E;
	s24 =	sld [smem:$0x3FFE];
	[sflag:s23] =	ssyncadd.s32 $0xFFFFFFFF  }
0xa8: {  	s26 =	simm.s32 $execute0_lowered;
	[smem:$0x3FD2] =	sst s25  }
0xa9: {  	s8 =	sshll.u32 s26, $0x1;
	_ =	strace $0x80000046;
	[dreg:$0x1] =	wrdreg $0xFFFFFFFF  }
0xaa: {  	s28 =	simm.s32 $_size_execute0_lowered;
	s6 =	sadd.s32 s6, s8;
	[dreg:$0x0] =	wrdreg $0x0  }
0xab: {  	s8 =	sshll.u32 s28, $0x1;
	[dreg:$0x2] =	wrdreg s6  }
0xac: {  	[dreg:$0x3] =	wrdreg s8  }
0xad: {  	[dreg:$0x4] =	wrdreg $0xC0  }
0xae: {  	_ =	task [dreg:s10], $0x5FFFF  }
0xaf: {  	[dreg:$0x1] =	wrdreg $0xFFFFFFFF  }
0xb0: {  	[dreg:$0x0] =	wrdreg $0x60  }
0xb1: {  	[dreg:$0x2] =	wrdreg s18  }
0xb2: {  	[dreg:$0x3] =	wrdreg s24  }
0xb3: {  	[dreg:$0x4] =	wrdreg s2  }
0xb4: {  	[dreg:$0x5] =	wrdreg s4  }
0xb5: {  	[dreg:$0x6] =	wrdreg s5  }
0xb6: {  	[dreg:$0x7] =	wrdreg $0x9  }
0xb7: {  	_ =	task.clear_ibuf [dreg:s10], $0x8FFFF;
	_ =	strace $0x90000046  }
0xb8: {  	s29 =	simm.s32 $0x9;
	_ =	strace $0x80000048  }
0xb9: {  	_ =	swait.ge [sflag:s29], $0x1  }
0xba: {  	[sflag:s29] =	ssyncadd.s32 $0xFFFFFFFF  }
0xbb: {  	_ =	strace $0x90000048  }
0xbc: {  	_ =	sfence  }
0xbd: {  	s30 =	sld [smem:$0x0];
	_ =	sdelay $0x2  }
0xbe: {  	s31 =	sshll.u32 s1, $0xD;
	s1 =	sshrl.u32 s1, $0x2  }
0xbf: {  	s3 =	sand.u32 $0x4000, s31;
	s1 =	sadd.s32 s1, s30  }
0xc0: {  	s0 =	sor.u32 s3, s0;
	s1 =	sshll.u32 s1, $0x11  }
0xc1: {  	s0 =	sor.u32 s1, s0  }
0xc2: {  	s0 =	sadd.s32 $0x8F2B, s0  }
0xc3: {  	[sflag:s0] =	ssyncadd.remote.s32 $0x1  }
0xc4: {  	_ =	sfence.sel $0xFFFF  }
0xc5: {  	[dreg:$0x0] =	wrdreg $0xFFFFFFFF;
	(pc) =	sbr.abs _section_cstart, $3  }
0xc6: {  	[dreg:$0x1] =	wrdreg $0xFFFFFFFF  }
0xc7: {  	_ =	task.clear_ibuf [dreg:s10], $0x2FFFF;
	_ =	strace $0x9FFFFFFF  }
0xc8: {  	(tm) =	ssettm $0x7FFFFFFF  }
0xc9: {  	_ =	shalt  }
tec
execute0_lowered:
.L_overlay_start_1:
0x0: {  	(tag) =	ssettag $0x1  }
0x1: {  	s1 =	rddreg [dreg:$0x0]  }
0x2: {  	s6 =	rddreg [dreg:$0x1]  }
0x3: {  	s8 =	rddreg [dreg:$0x2]  }
0x4: {  	s2 =	rddreg [dreg:$0x3]  }
0x5: {  	s4 =	rddreg [dreg:$0x4]  }
0x6: {  	s0 =	rddreg [dreg:$0x5];
	s5 =	simm.s32 $0x0;
	s7 =	srdreg.scid  }
0x7: {  	s3 =	stileid.u32;
	s14 =	simm.s32 $0x5080;
	s15 =	simm.s32 $0x6  }
0x8: {  	s16 =	simm.s32 $0x6480;
	s17 =	simm.s32 $0x1;
	s18 =	simm.s32 $0x2  }
0x9: {  	s19 =	simm.s32 $0x3;
	s20 =	simm.s32 $0x5;
	s22 =	simm.s32 $0x4  }
0xa: {  	[smem:$0x7FF] =	sst s5;
	s7 =	sand.u32 $0x1, s7;
	s9 =	sshll.u32 s3, $0x1  }
0xb: {  	s23 =	simm.s32 $0x0;
	_ =	strace $0x80000047;
	s9 =	sor.u32 s7, s9  }
0xc: {  	s7 =	ssub.s32 $0x2, s7;
	s10 =	sshll.u32 s9, $0xB;
	s11 =	sshll.u32 s9, $0x7  }
0xd: {  	s30 =	sshrl.u32 s7, $0x1;
	s31 =	sshll.u32 s9, $0x4;
	s21 =	sshll.u32 s9, $0xA  }
0xe: {  	s10 =	sadd.s32 s10, s6;
	s12 =	sadd.s32 s11, s6;
	s13 =	ssub.s32 s7, s30  }
0xf: {  	s7 =	sadd.s32 s1, s31;
	s8 =	sadd.s32 s8, s11;
	v0 =	vmov s21;
	s21 =	simm.s32 $0x6080  }
0x10: {  	s6 =	sadd.s32 $0x1400, s10;
	s9 =	sadd.s32 $0x11400, s12;
	s10 =	sadd.s32 $0x12400, s12  }
0x11: {  	v1 =	vimm.f32 $0.0e+00;
	v2 =	vimm.f32 $1.000000000e+00;
	s11 =	smax.u32 s13, $0x1;
	s12 =	simm.s32 $0x80;
	s13 =	simm.s32 $0x4080  }
.LBB2_1:
0x12: {  	[tilespmem:s12], [sflag:$0x1] =	stream.linear.gather [hbm4b:s6+s5], $0x4000, $0x38;
	[tilespmem:$0x6880] =	vst v63  }
0x13: {  	_ = 	snop  }
0x14: {  	[tilespmem:s13], [sflag:$0x2] =	stream.linear.gather [hbm4b:s1+s5], $0x1000, $0x38;
	[tilespmem:$0x6880] =	vst v63  }
0x15: {  	_ = 	snop  }
0x16: {  	[tilespmem:s14], [sflag:$0x3] =	stream.linear.gather [hbm4b:s2+s5], $0x1000, $0x38;
	[tilespmem:$0x6880] =	vst v63  }
0x17: {  	_ = 	snop  }
0x18: {  	[tilespmem:s5], [sflag:$0x6] =	stream.linear.gather [hbm4b:s7+s5], $0x80, $0x38;
	[tilespmem:$0x6880] =	vst v63  }
0x19: {  	_ =	swait.ge [sflag:s15], $0x80  }
0x1a: {  	[sflag:s15] =	ssyncset.done $0x0  }
0x1b: {  	[sflag:s15] =	ssyncadd.s32 $0xFFFFFF80  }
0x1c: {  	[tilespmem:s16], [sflag:$0x5] =	stream.linear.gather [hbm4b:s8+s5], $0x400, $0x38;
	[tilespmem:$0x6880] =	vst v63  }
0x1d: {  	_ =	swait.ge [sflag:s17], $0x4000  }
0x1e: {  	[sflag:s17] =	ssyncset.done $0x0  }
0x1f: {  	s24 =	simm.s32 $0x60A0;
	[sflag:s17] =	ssyncadd.s32 $0xFFFFC000  }
0x20: {  	[hbm4b:s4+s12] =	stream.indirect.scatter [tilespmem:s12], [sflag:$0x4], $0x80, s5, s12, $0xb8;
	[tilespmem:$0x6880] =	vst v63  }
0x21: {  	[tilespmem:s24+$0xFFFFFFE0] =	vst v1  }
0x22: {  	[tilespmem:s24+$0x10] =	vst v1  }
0x23: {  	s25 =	simm.s32 $0x0;
	[tilespmem:s24+$0x0] =	vst v1  }
.LBB2_2:
0x24: {  	s25 =	sadd.s32 $0x4, s25  }
0x25: {  	[tilespmem:s24+$0xFFFFFFF0] =	vst v1;
	s24 =	sadd.s32 $0x40, s24;
	p0 =	slt.u32 s25, $0x3C  }
.Ltmp0:
0x26: {  	[tilespmem:s24+$0xFFFFFFE0] =	vst v1;
	(pc) =	sbr.rel @p0 .LBB2_2-.Ltmp0, $3  }
0x27: {  	_ =	sdelay $0x1  }
0x28: {  	[tilespmem:s24+$0x10] =	vst v1  }
0x29: {  	[tilespmem:s24+$0x0] =	vst v1  }
0x2a: {  	[tilespmem:s24+$0xFFFFFFF0] =	vst v1  }
0x2b: {  	_ =	swait.ge [sflag:s18], $0x1000  }
0x2c: {  	[sflag:s18] =	ssyncset.done $0x0  }
0x2d: {  	[sflag:s18] =	ssyncadd.s32 $0xFFFFF000  }
0x2e: {  	_ =	swait.ge [sflag:s19], $0x1000  }
0x2f: {  	[sflag:s19] =	ssyncset.done $0x0  }
0x30: {  	[sflag:s19] =	ssyncadd.s32 $0xFFFFF000  }
0x31: {  	_ =	swait.ge [sflag:s20], $0x400  }
0x32: {  	[sflag:s20] =	ssyncset.done $0x0  }
0x33: {  	s25 =	simm.s32 $0x40C0;
	[sflag:s20] =	ssyncadd.s32 $0xFFFFFC00  }
0x34: {  	v3 =	vld [tilespmem:s25+$0x30]  }
0x35: {  	v4 =	vld [tilespmem:s25+$0xFFFFFFD0]  }
0x36: {  	v5 =	vld [tilespmem:s25+$0xFFFFFFE0]  }
0x37: {  	v6 =	vld [tilespmem:s25+$0xFFFFFFF0]  }
0x38: {  	v7 =	vld [tilespmem:s25+$0x0]  }
0x39: {  	v8 =	vld [tilespmem:s25+$0x10]  }
0x3a: {  	v9 =	vld [tilespmem:s25+$0x20];
	_ =	sdelay $0x1  }
0x3b: {  	s30 =	simm.s32 $0x50C0  }
0x3c: {  	v12 =	vld [tilespmem:s30+$0x30];
	v3 =	vsub.s32 v3, v0;
	v10 =	vsub.s32 v4, v0;
	v11 =	vsub.s32 v5, v0  }
0x3d: {  	v17 =	vld [tilespmem:s30+$0xFFFFFFC0];
	v13 =	vsub.s32 v6, v0;
	v15 =	vsub.s32 v7, v0;
	v16 =	vsub.s32 v8, v0  }
0x3e: {  	v19 =	vld [tilespmem:s30+$0xFFFFFFD0];
	v18 =	vsub.s32 v9, v0;
	vm0 =	vgt.s32 v3, $0x0;
	vm2 =	vlt.u32 v3, $0x400  }
0x3f: {  	v22 =	vld [tilespmem:s30+$0xFFFFFFE0];
	vm1 =	vgt.s32 v11, $0x0;
	vm3 =	vgt.s32 v13, $0x0;
	vm6 =	vlt.u32 v10, $0x400  }
0x40: {  	s31 =	simm.s32 $0x4140;
	v4 =	vld [tilespmem:s25+$0xFFFFFFC0];
	vm5 =	vlt.u32 v18, $0x400;
	v3 =	vnsel vm0, $0x0, v3;
	vm0 =	vgt.s32 v10, $0x0  }
0x41: {  	v25 =	vld [tilespmem:s31+$0x30];
	v6 =	vnsel vm1, $0x0, v11;
	vm1 =	vgt.s32 v16, $0x0;
	v9 =	vnsel vm3, $0x0, v13  }
0x42: {  	v26 =	vld [tilespmem:s31+$0xFFFFFFD0];
	vm3 =	vgt.s32 v18, $0x0;
	v14 =	vmin.u32 v3, $0x3FF;
	v5 =	vnsel vm0, $0x0, v10  }
0x43: {  	v7 =	vld [tilespmem:s30+$0xFFFFFFF0];
	vm0 =	vgt.s32 v15, $0x0;
	v21 =	vnsel vm1, $0x0, v16;
	v27 =	vmin.u32 v6, $0x3FF  }
0x44: {  	v3 =	vld [tilespmem:s30+$0x10];
	v9 =	vmin.u32 v9, $0x3FF;
	vm1 =	vlt.u32 v16, $0x400;
	v20 =	vnsel vm0, $0x0, v15  }
0x45: {  	v10 =	vld [tilespmem:s31+$0xFFFFFFF0];
	v24 =	vmin.u32 v5, $0x3FF;
	v5 =	vnsel vm3, $0x0, v18;
	v8 =	vsub.s32 v4, v0  }
0x46: {  	v6 =	vmin.u32 v21, $0x3FF;
	vm3 =	vlt.u32 v13, $0x400;
	v21 =	vld [tilespmem:s31+$0x10];
	vm4 =	vgt.s32 v8, $0x0  }
0x47: {  	v13 =	vsub.s32 v25, v0;
	v25 =	vld [tilespmem:s31+$0x20];
	vm7 =	vlt.u32 v8, $0x400;
	v23 =	vnsel vm4, $0x0, v8  }
0x48: {  	vm0 =	vlt.u32 v15, $0x400;
	v8 =	vmin.u32 v20, $0x3FF;
	v20 =	vld [tilespmem:s31+$0xFFFFFFE0];
	v23 =	vmin.u32 v23, $0x3FF  }
0x49: {  	vm1 =	vmmov vm1;
	v5 =	vmin.u32 v5, $0x3FF;
	vm4 =	vlt.u32 v11, $0x400;
	v11 =	vld [tilespmem:s31+$0x0];
	[tilespmem:v14+s21+$0x0] =	vst.idx.msk vm2, v2  }
0x4a: {  	v4 =	vld [tilespmem:s30+$0x0];
	vm8 =	vgt.s32 v13, $0x0;
	v16 =	vsub.s32 v10, v0;
	[tilespmem:v14+s16+$0x0] =	vst.idx.msk vm2, v12;
	v14 =	vsub.s32 v26, v0  }
0x4b: {  	s24 =	simm.s32 $0x5140;
	vm2 =	vmmov vm5;
	v26 =	vld [tilespmem:s31+$0xFFFFFFC0];
	vm5 =	vlt.u32 v13, $0x400;
	v12 =	vnsel vm8, $0x0, v13;
	[tilespmem:v24+s21+$0x0] =	vst.idx.msk vm6, v2  }
0x4c: {  	v10 =	vld [tilespmem:s24+$0xFFFFFFD0];
	vm9 =	vgt.s32 v16, $0x0;
	v21 =	vsub.s32 v21, v0;
	vm15 =	vgt.s32 v14, $0x0;
	[tilespmem:v24+s16+$0x0] =	vst.idx.msk vm6, v19  }
0x4d: {  	v13 =	vld [tilespmem:s24+$0xFFFFFFC0];
	v30 =	vmin.u32 v12, $0x3FF;
	vm14 =	vgt.s32 v21, $0x0;
	v15 =	vsub.s32 v20, v0;
	[tilespmem:v23+s21+$0x0] =	vst.idx.msk vm7, v2  }
0x4e: {  	v18 =	vsub.s32 v11, v0;
	v20 =	vsub.s32 v25, v0;
	v25 =	vnsel vm9, $0x0, v16;
	[tilespmem:v23+s16+$0x0] =	vst.idx.msk vm7, v17;
	v17 =	vld [tilespmem:s24+$0x30]  }
0x4f: {  	v12 =	vld [tilespmem:s30+$0x20];
	[tilespmem:v9+s21+$0x0] =	vst.idx.msk vm3, v2;
	vm12 =	vgt.s32 v15, $0x0;
	vm13 =	vgt.s32 v18, $0x0;
	v23 =	vnsel vm15, $0x0, v14  }
0x50: {  	v24 =	vld [tilespmem:s24+$0x0];
	[tilespmem:v27+s21+$0x0] =	vst.idx.msk vm4, v2;
	v31 =	vnsel vm12, $0x0, v15;
	v26 =	vsub.s32 v26, v0;
	vm15 =	vgt.s32 v20, $0x0  }
0x51: {  	[tilespmem:v27+s16+$0x0] =	vst.idx.msk vm4, v22;
	v22 =	vld [tilespmem:s24+$0xFFFFFFF0];
	v28 =	vnsel vm13, $0x0, v18;
	v27 =	vnsel vm14, $0x0, v21;
	vm4 =	vgt.s32 v26, $0x0  }
0x52: {  	v11 =	vld [tilespmem:s24+$0xFFFFFFE0];
	[tilespmem:v30+s21+$0x0] =	vst.idx.msk vm5, v2;
	v19 =	vmin.u32 v23, $0x3FF;
	v29 =	vnsel vm15, $0x0, v20;
	v32 =	vnsel vm4, $0x0, v26  }
0x53: {  	s26 =	simm.s32 $0x41C0;
	s25 =	simm.s32 $0x8;
	v23 =	vmin.u32 v32, $0x3FF;
	[tilespmem:v30+s16+$0x0] =	vst.idx.msk vm5, v17;
	v17 =	vmin.u32 v31, $0x3FF;
	v30 =	vmin.u32 v25, $0x3FF;
	v25 =	vld [tilespmem:s24+$0x10]  }
.LBB2_4:
0x54: {  	v31 =	vld [tilespmem:s26+$0x30];
	v28 =	vmin.u32 v28, $0x3FF;
	v27 =	vmin.u32 v27, $0x3FF;
	v29 =	vmin.u32 v29, $0x3FF;
	[tilespmem:v9+s16+$0x0] =	vst.idx.msk vm3, v7;
	v9 =	vmovc v30  }
0x55: {  	s25 =	sadd.s32 $0x8, s25;
	vm6 =	vlt.u32 v26, $0x400;
	vm5 =	vlt.u32 v14, $0x400;
	vm4 =	vlt.u32 v15, $0x400;
	v30 =	vld [tilespmem:s26+$0xFFFFFFD0];
	[tilespmem:v8+s21+$0x0] =	vst.idx.msk vm0, v2  }
0x56: {  	vm3 =	vlt.u32 v16, $0x400;
	vm7 =	vlt.u32 v21, $0x400;
	p0 =	slt.u32 s25, $0xF8;
	v15 =	vld [tilespmem:s26+$0xFFFFFFE0];
	[tilespmem:v8+s16+$0x0] =	vst.idx.msk vm0, v4;
	vm0 =	vlt.u32 v18, $0x400;
	v8 =	vmovc v28;
	v7 =	vmovc v22  }
0x57: {  	vm8 =	vlt.u32 v20, $0x400;
	v16 =	vld [tilespmem:s26+$0xFFFFFFF0];
	[tilespmem:v6+s21+$0x0] =	vst.idx.msk vm1, v2;
	v4 =	vmov v24  }
0x58: {  	v18 =	vld [tilespmem:s26+$0x0];
	[tilespmem:v6+s16+$0x0] =	vst.idx.msk vm1, v3;
	v6 =	vmov v27;
	v3 =	vmov v25;
	vm1 =	vmmov vm7  }
0x59: {  	v20 =	vld [tilespmem:s26+$0x10];
	v21 =	vsub.s32 v31, v0;
	[tilespmem:v5+s21+$0x0] =	vst.idx.msk vm2, v2  }
0x5a: {  	v14 =	vsub.s32 v30, v0;
	v22 =	vld [tilespmem:s26+$0x20];
	vm9 =	vgt.s32 v21, $0x0;
	[tilespmem:v5+s16+$0x0] =	vst.idx.msk vm2, v12;
	v5 =	vmovc v29;
	vm2 =	vmmov vm8  }
0x5b: {  	vm7 =	vlt.u32 v21, $0x400;
	v24 =	vld [tilespmem:s26+$0xFFFFFFC0];
	v15 =	vsub.s32 v15, v0;
	v12 =	vnsel vm9, $0x0, v21;
	[tilespmem:v23+s21+$0x0] =	vst.idx.msk vm6, v2  }
0x5c: {  	vm8 =	vgt.s32 v14, $0x0;
	v16 =	vsub.s32 v16, v0;
	v25 =	vmin.u32 v12, $0x3FF;
	[tilespmem:v23+s16+$0x0] =	vst.idx.msk vm6, v13;
	v12 =	vld [tilespmem:s24+$0x20];
	s24 =	sadd.s32 $0x80, s24  }
0x5d: {  	vm6 =	vgt.s32 v15, $0x0;
	vm9 =	vgt.s32 v16, $0x0;
	v18 =	vsub.s32 v18, v0;
	v23 =	vld [tilespmem:s24+$0x30];
	[tilespmem:v19+s21+$0x0] =	vst.idx.msk vm5, v2  }
0x5e: {  	v29 =	vnsel vm8, $0x0, v14;
	v13 =	vld [tilespmem:s24+$0xFFFFFFC0];
	vm8 =	vgt.s32 v18, $0x0;
	v21 =	vsub.s32 v20, v0;
	[tilespmem:v19+s16+$0x0] =	vst.idx.msk vm5, v10  }
.Ltmp1:
0x5f: {  	v30 =	vnsel vm6, $0x0, v15;
	v10 =	vld [tilespmem:s24+$0xFFFFFFD0];
	vm5 =	vgt.s32 v21, $0x0;
	v20 =	vsub.s32 v22, v0;
	[tilespmem:v17+s21+$0x0] =	vst.idx.msk vm4, v2;
	(pc) =	sbr.rel @p0 .LBB2_4-.Ltmp1, $4  }
0x60: {  	v31 =	vnsel vm9, $0x0, v16;
	v26 =	vsub.s32 v24, v0;
	vm6 =	vgt.s32 v20, $0x0;
	[tilespmem:v17+s16+$0x0] =	vst.idx.msk vm4, v11;
	v11 =	vld [tilespmem:s24+$0xFFFFFFE0]  }
0x61: {  	v28 =	vnsel vm8, $0x0, v18;
	v27 =	vnsel vm5, $0x0, v21;
	vm4 =	vgt.s32 v26, $0x0;
	v22 =	vld [tilespmem:s24+$0xFFFFFFF0];
	[tilespmem:v25+s21+$0x0] =	vst.idx.msk vm7, v2  }
0x62: {  	v19 =	vmin.u32 v29, $0x3FF;
	v29 =	vnsel vm6, $0x0, v20;
	v17 =	vnsel vm4, $0x0, v26;
	v24 =	vld [tilespmem:s24+$0x0];
	[tilespmem:v25+s16+$0x0] =	vst.idx.msk vm7, v23  }
0x63: {  	s26 =	sadd.s32 $0x80, s26;
	v23 =	vmin.u32 v17, $0x3FF;
	v17 =	vmin.u32 v30, $0x3FF;
	v30 =	vmin.u32 v31, $0x3FF;
	v25 =	vld [tilespmem:s24+$0x10];
	[tilespmem:v9+s21+$0x0] =	vst.idx.msk vm3, v2  }
0x64: {  	_ =	sdelay $0x4  }
0x65: {  	[tilespmem:v9+s16+$0x0] =	vst.idx.msk vm3, v7  }
0x66: {  	vm8 =	vlt.u32 v26, $0x400;
	[tilespmem:v8+s21+$0x0] =	vst.idx.msk vm0, v2  }
0x67: {  	vm9 =	vlt.u32 v14, $0x400;
	[tilespmem:v6+s21+$0x0] =	vst.idx.msk vm1, v2  }
0x68: {  	vm10 =	vlt.u32 v15, $0x400;
	[tilespmem:v5+s21+$0x0] =	vst.idx.msk vm2, v2  }
0x69: {  	vm11 =	vlt.u32 v16, $0x400;
	[tilespmem:v8+s16+$0x0] =	vst.idx.msk vm0, v4  }
0x6a: {  	vm12 =	vlt.u32 v18, $0x400;
	[tilespmem:v6+s16+$0x0] =	vst.idx.msk vm1, v3  }
0x6b: {  	vm14 =	vlt.u32 v20, $0x400;
	[tilespmem:v5+s16+$0x0] =	vst.idx.msk vm2, v12;
	v3 =	vmin.u32 v28, $0x3FF  }
0x6c: {  	v62 =	vmin.u32 v29, $0x3FF;
	[tilespmem:v23+s21+$0x0] =	vst.idx.msk vm8, v2  }
0x6d: {  	[tilespmem:v19+s21+$0x0] =	vst.idx.msk vm9, v2  }
0x6e: {  	[tilespmem:v17+s21+$0x0] =	vst.idx.msk vm10, v2  }
0x6f: {  	[tilespmem:v30+s21+$0x0] =	vst.idx.msk vm11, v2  }
0x70: {  	vm4 =	vlt.u32 v21, $0x400;
	[tilespmem:v3+s21+$0x0] =	vst.idx.msk vm12, v2  }
0x71: {  	v63 =	vld [tilespmem:s24+$0x20];
	vm13 =	vmmov vm4;
	[tilespmem:v62+s21+$0x0] =	vst.idx.msk vm14, v2  }
0x72: {  	v61 =	vmin.u32 v27, $0x3FF;
	[tilespmem:v23+s16+$0x0] =	vst.idx.msk vm8, v13  }
0x73: {  	[tilespmem:v19+s16+$0x0] =	vst.idx.msk vm9, v10  }
0x74: {  	[tilespmem:v17+s16+$0x0] =	vst.idx.msk vm10, v11  }
0x75: {  	[tilespmem:v30+s16+$0x0] =	vst.idx.msk vm11, v22  }
0x76: {  	[tilespmem:v3+s16+$0x0] =	vst.idx.msk vm12, v24  }
0x77: {  	[tilespmem:v61+s21+$0x0] =	vst.idx.msk vm13, v2  }
0x78: {  	[tilespmem:v62+s16+$0x0] =	vst.idx.msk vm14, v63  }
0x79: {  	[tilespmem:v61+s16+$0x0] =	vst.idx.msk vm13, v25  }
0x7a: {  	[hbm4b:s9+s5] =	stream.linear.scatter [tilespmem:s21], [sflag:$0x6], $0x400, $0x38;
	[tilespmem:$0x6880] =	vst v63  }
0x7b: {  	_ =	swait.ge [sflag:s15], $0x400  }
0x7c: {  	[sflag:s15] =	ssyncset.done $0x0  }
0x7d: {  	s23 =	sadd.s32 $0x1, s23;
	[sflag:s15] =	ssyncadd.s32 $0xFFFFFC00  }
0x7e: {  	[hbm4b:s10+s5] =	stream.linear.scatter [tilespmem:s16], [sflag:$0x6], $0x400, $0x38;
	[tilespmem:$0x6880] =	vst v63  }
0x7f: {  	p0 =	sne.s32 s23, s11;
	_ =	swait.ge [sflag:s15], $0x400  }
.Ltmp2:
0x80: {  	[sflag:s15] =	ssyncset.done $0x0;
	(pc) =	sbr.rel @p0 .LBB2_1-.Ltmp2, $4  }
0x81: {  	[sflag:s15] =	ssyncadd.s32 $0xFFFFFC00  }
0x82: {  	_ =	swait.ge [sflag:s22], $0x4000  }
0x83: {  	[sflag:s22] =	ssyncset.done $0x0  }
0x84: {  	vm15 =	vmmov vm14;
	[sflag:s22] =	ssyncadd.s32 $0xFFFFC000  }
0x85: {  	_ =	sfence.sel $0x180000  }
0x86: {  	[bflag:$0x0] =	sbarrier.arrive $0xFFFF  }
0x87: {  	p0 =	sne.s32 s3, $0x0;
	_ =	strace $0x90000047  }
0x88: {  	s0 =	sadd.s32 @!p0 $0x100000, s0;
	[bflag:$0x2] =	sbarrier.arrive $0xFFFF  }
0x89: {  	[sflag:s0] =	ssyncadd.tile.s32 @!p0 $0x1;
	_ =	shalt  }
.Lfunc_end2:
_tile_overlayer_lowered:
.L_overlay_start_2:
0x8a: {  	(tag) =	ssettag $0x2  }
0x8b: {  	s0 =	rddreg [dreg:$0x0];
	s2 =	stileid.u32  }
0x8c: {  	s1 =	rddreg [dreg:$0x1];
	p0 =	sne.s32 s2, $0x0  }
0x8d: {  	s3 =	rddreg [dreg:$0x2];
	[bflag:$0x3] =	sbarrier.arrive $0xFFFF;
	s2 =	simm.s32 @!p0 $0x1C06  }
0x8e: {  	[timem:s3], [sflag:s2] =	dma.local @!p0 [hbm:s0], s1  }
0x8f: {  	s0 =	simm.s32 @!p0 $0x6  }
0x90: {  	_ =	swait.ge @!p0 [sflag:s0], s1  }
0x91: {  	s1 =	ssub.s32 @!p0 $0x0, s1;
	[sflag:s0] =	ssyncset.done @!p0 $0x0  }
0x92: {  	[sflag:s0] =	ssyncadd.s32 @!p0 s1  }
0x93: {  	[bflag:$0x3] =	sbarrier.arrive $0xFFFF  }
0x94: {  	_ =	shalt  }

</sc_bundles>
